<compile_context>
chip_gen: v7x
topology: tpu7x:2x2x1
jax: 0.10.2.dev20260603
libtpu: 0.0.44.dev20260713+nightly
codegen_flags: <defaults>
</compile_context>

<pallas_src>
import functools

import jax
import jax.numpy as jnp
from jax import lax
from jax.experimental import pallas as pl
from jax.experimental.pallas import tpu as pltpu
from jax.experimental.pallas import tpu_sc as plsc

NW = 32
NS = 16
K = 128


@functools.partial(jax.jit, static_argnames=("n_pad", "epw"))
def _degrees(src, dst, *, n_pad, epw):
    mesh = plsc.VectorSubcoreMesh(core_axis_name="c", subcore_axis_name="s")

    @functools.partial(
        pl.kernel,
        out_type=jax.ShapeDtypeStruct((NW, 2 * n_pad), jnp.float32),
        mesh=mesh,
        scratch_types=[
            pltpu.VMEM((epw,), jnp.int32),
            pltpu.VMEM((epw,), jnp.int32),
            pltpu.VMEM((2 * n_pad,), jnp.float32),
        ],
        compiler_params=pltpu.CompilerParams(needs_layout_passes=False),
    )
    def deg_kernel(src_hbm, dst_hbm, out_hbm, src_v, dst_v, hist_v):
        c = lax.axis_index("c")
        s = lax.axis_index("s")
        w = c * NS + s

        zeros16 = jnp.zeros((16,), jnp.float32)

        def zbody(i, carry):
            hist_v[pl.ds(i * 16, 16)] = zeros16
            return carry

        lax.fori_loop(0, (2 * n_pad) // 16, zbody, 0)

        pltpu.sync_copy(src_hbm.at[pl.ds(w * epw, epw)], src_v)
        pltpu.sync_copy(dst_hbm.at[pl.ds(w * epw, epw)], dst_v)

        ones16 = jnp.ones((16,), jnp.float32)
        offs = jnp.full((16,), n_pad, jnp.int32)

        def body(i, carry):
            sv = src_v[pl.ds(i * 16, 16)]
            dv = dst_v[pl.ds(i * 16, 16)]
            plsc.addupdate_scatter(hist_v, [sv], ones16)
            plsc.addupdate_scatter(hist_v, [dv + offs], ones16)
            return carry

        lax.fori_loop(0, epw // 16, body, 0)
        pltpu.sync_copy(hist_v, out_hbm.at[w])

    return deg_kernel(src, dst)


BR = 1024


@functools.partial(jax.jit, static_argnames=("n", "grid"))
def _scale(deg_src, deg_dst, x, *, n, grid):
    def body(ds_ref, dd_ref, x_ref, y_ref, nd_ref):
        dsrc = jnp.sum(ds_ref[...], axis=0)
        ddst = jnp.sum(dd_ref[...], axis=0)
        ns = lax.rsqrt(jnp.maximum(dsrc, 1.0))
        y_ref[...] = x_ref[...] * ns[:, None]
        nd_ref[...] = lax.rsqrt(jnp.maximum(ddst, 1.0))[None, None, :]

    return pl.pallas_call(
        body,
        grid=(grid,),
        in_specs=[
            pl.BlockSpec((NW, BR), lambda i: (0, i)),
            pl.BlockSpec((NW, BR), lambda i: (0, i)),
            pl.BlockSpec((BR, 128), lambda i: (i, 0)),
        ],
        out_specs=[
            pl.BlockSpec((BR, 128), lambda i: (i, 0)),
            pl.BlockSpec((1, 1, BR), lambda i: (i, 0, 0)),
        ],
        out_shape=[
            jax.ShapeDtypeStruct((n, 128), jnp.float32),
            jax.ShapeDtypeStruct((grid, 1, BR), jnp.float32),
        ],
    )(deg_src, deg_dst, x)


Q0 = 56
Q1 = 104


@functools.partial(jax.jit, static_argnames=("n_pad",))
def _aggregate(y, src2, dst2, zrows, *, n_pad):
    mesh = plsc.VectorSubcoreMesh(core_axis_name="c", subcore_axis_name="s")
    rpt = n_pad // NS
    qmax = max(Q0, Q1)

    @functools.partial(
        pl.kernel,
        out_type=jax.ShapeDtypeStruct((2, n_pad, 128), jnp.float32),
        mesh=mesh,
        scratch_types=[
            pltpu.VMEM((qmax, K), jnp.int32),
            pltpu.VMEM((qmax, K), jnp.int32),
            pltpu.VMEM((K, 128), jnp.float32),
            pltpu.VMEM_SHARED((n_pad, 128), jnp.float32),
            pltpu.SemaphoreType.DMA,
        ],
        compiler_params=pltpu.CompilerParams(needs_layout_passes=False),
    )
    def agg_kernel(y_hbm, src_hbm, dst_hbm, z_hbm, out_hbm,
                   sidx_v, didx_v, buf_v, acc_s, gsem):
        c = lax.axis_index("c")
        s = lax.axis_index("s")
        q = jnp.where(c == 0, Q0, Q1)
        start = c * (NS * Q0) + s * q

        pltpu.sync_copy(z_hbm, acc_s.at[pl.ds(s * rpt, rpt)])
        pltpu.sync_copy(src_hbm.at[pl.ds(start, qmax)], sidx_v)
        pltpu.sync_copy(dst_hbm.at[pl.ds(start, qmax)], didx_v)
        plsc.subcore_barrier()

        def body(j, carry):
            pltpu.async_copy(y_hbm.at[sidx_v.at[j]], buf_v, gsem).wait()
            pltpu.sync_copy(buf_v, acc_s.at[didx_v.at[j]], add=True)
            return carry

        lax.fori_loop(0, q, body, 0)

        plsc.subcore_barrier()
        pltpu.sync_copy(acc_s.at[pl.ds(s * rpt, rpt)],
                        out_hbm.at[c, pl.ds(s * rpt, rpt)])

    return agg_kernel(y, src2, dst2, zrows)


@functools.partial(jax.jit, static_argnames=("n", "grid"))
def _finish(accs, nd3, W, b2, *, n, grid):
    def body(acc_ref, nd_ref, w_ref, b_ref, out_ref):
        a = acc_ref[...]
        h = (a[0] + a[1]) * nd_ref[0, 0][:, None]
        out_ref[...] = (
            jnp.dot(h, w_ref[...], preferred_element_type=jnp.float32)
            + b_ref[...]
        )

    return pl.pallas_call(
        body,
        grid=(grid,),
        in_specs=[
            pl.BlockSpec((2, BR, 128), lambda i: (0, i, 0)),
            pl.BlockSpec((1, 1, BR), lambda i: (i, 0, 0)),
            pl.BlockSpec((128, 128), lambda i: (0, 0)),
            pl.BlockSpec((1, 128), lambda i: (0, 0)),
        ],
        out_specs=pl.BlockSpec((BR, 128), lambda i: (i, 0)),
        out_shape=jax.ShapeDtypeStruct((n, 128), jnp.float32),
    )(accs, nd3, W, b2)


def kernel(x, edge_index, W, b):
    n, d_in = x.shape
    e = edge_index.shape[1]
    assert d_in == 128 and W.shape == (128, 128)
    assert e % (NW * 16) == 0

    n_pad = ((n + 1 + 127) // 128) * 128
    nch = NS * (Q0 + Q1)
    e_pad = nch * K
    assert e <= e_pad
    grid = (n + BR - 1) // BR

    src = edge_index[0].astype(jnp.int32)
    dst = edge_index[1].astype(jnp.int32)

    deg = _degrees(src, dst, n_pad=n_pad, epw=e // NW)
    deg_src = deg[:, :n_pad]
    deg_dst = deg[:, n_pad:]

    y, nd3 = _scale(deg_src, deg_dst, x, n=n, grid=grid)

    src_p = jnp.concatenate([src, jnp.zeros((e_pad - e,), jnp.int32)])
    dst_p = jnp.concatenate([dst, jnp.full((e_pad - e,), n_pad - 1, jnp.int32)])
    src2 = src_p.reshape(nch, K)
    dst2 = dst_p.reshape(nch, K)
    zrows = jnp.zeros((n_pad // NS, 128), jnp.float32)
    accs = _aggregate(y, src2, dst2, zrows, n_pad=n_pad)

    return _finish(accs, nd3, W, b.reshape(1, 128), n=n, grid=grid)

# --- scband reference (transcript-rebuilt; emitter-appended) ---
"""Pipeline reference for scband-gcnconv-76012331205022 (READ-ONLY COPY).

The authoritative reference and input builder live on the scoring server;
editing this copy changes nothing except your own understanding.
"""

import jax, jax.numpy as jnp
import numpy as np

N_NODES = 10000
N_EDGES = 320000
D_IN = 128
D_OUT = 128


def setup_inputs(seed: int = 0) -> dict:
    key = jax.random.key(seed)
    k1, k2, k3 = jax.random.split(key, 3)
    x = jax.random.normal(k1, (N_NODES, D_IN), dtype=jnp.float32)
    edge_index = jax.random.randint(k2, (2, N_EDGES), 0, N_NODES, dtype=jnp.int64)
    # learned params of GraphConv(in, out, norm='both', bias=True)
    limit = float(np.sqrt(6.0 / (D_IN + D_OUT)))  # xavier uniform
    W = jax.random.uniform(k3, (D_IN, D_OUT), dtype=jnp.float32, minval=-limit, maxval=limit)
    b = jnp.zeros((D_OUT,), dtype=jnp.float32)
    return {"x": x, "edge_index": edge_index, "W": W, "b": b}


def reference(x, edge_index, W, b):
    # Faithful port of DGL GraphConv with norm='both' (GCN symmetric normalization):
    #   h = D_in^{-1/2} * A^T * (D_out^{-1/2} * x) @ W + b
    # with in/out degrees clamped to >= 1 as in DGL.
    src = edge_index[0]
    dst = edge_index[1]
    N = x.shape[0]
    ones = jnp.ones((src.shape[0],), dtype=jnp.float32)
    out_deg = jnp.zeros((N,), dtype=jnp.float32).at[src].add(ones)
    in_deg = jnp.zeros((N,), dtype=jnp.float32).at[dst].add(ones)
    out_deg = jnp.clip(out_deg, 1.0, None)
    in_deg = jnp.clip(in_deg, 1.0, None)
    norm_src = jax.lax.rsqrt(out_deg)
    norm_dst = jax.lax.rsqrt(in_deg)
    # scale source features, gather along edges, scatter-add to destinations
    x_scaled = x * norm_src[:, None]
    msgs = jnp.take(x_scaled, src, axis=0)
    agg = jax.ops.segment_sum(msgs, dst, num_segments=N)
    h = agg * norm_dst[:, None]
    # in_feats == out_feats -> DGL applies weight AFTER aggregation
    out = h @ W + b
    return out

if __name__ == "__main__":
    import jax
    _d = setup_inputs()
    print(jax.jit(kernel)(*tuple(_d.values())))

</pallas_src>

<mosaic_0001>
#map = affine_map<(d0, d1) -> (0)>
#map1 = affine_map<(d0, d1) -> (0, 0)>
module attributes {stable_mosaic.version = 14 : i64} {
  func.func @deg_kernel(%arg0: i32, %arg1: i32, %arg2: memref<320000xi32, #tpu.memory_space<hbm>>, %arg3: memref<320000xi32, #tpu.memory_space<hbm>>, %arg4: memref<32x20224xf32, #tpu.memory_space<hbm>>, %arg5: memref<10000xi32, #tpu.memory_space<vmem>>, %arg6: memref<10000xi32, #tpu.memory_space<vmem>>, %arg7: memref<20224xf32, #tpu.memory_space<vmem>>) attributes {dimension_semantics = [#tpu.dimension_semantics<core_parallel>, #tpu.dimension_semantics<subcore_parallel>], iteration_bounds = array<i64: 2, 16>, scalar_prefetch = 0 : i64, scratch_operands = 3 : i64, tpu.core_type = #tpu.core_type<sc_vector_subcore>, window_params = [{transform_indices = #map}, {transform_indices = #map}, {transform_indices = #map1}]} {
    %mul3A = arith.constant 16 : i32
    %mul3A_0 = arith.muli %arg0, %mul3A : i32
    %add3A = arith.addi %mul3A_0, %arg1 : i32
    %broadcast_in_dim3A = arith.constant 0.000000e+00 : f32
    %broadcast_in_dim3A_1 = vector.broadcast %broadcast_in_dim3A : f32 to vector<16xf32>
    %scan3A = arith.constant 0 : i32
    %scan3A_2 = arith.constant 0 : i32
    %scan3A_3 = arith.constant 1264 : i32
    %scan3A_4 = arith.addi %scan3A_2, %scan3A_3 : i32
    %scan3A_5 = arith.constant 1 : i32
    scf.for %scan3A_21 = %scan3A_2 to %scan3A_4 step %scan3A_5  : i32 {
      %mul3A_22 = arith.constant 16 : i32
      %mul3A_23 = arith.muli %scan3A_21, %mul3A_22 : i32
      %swap3A = arith.index_cast %mul3A_23 : i32 to index
      %swap3A_24 = tpu.vector_load %arg7[%swap3A] {strides = array<i32>} : memref<20224xf32, #tpu.memory_space<vmem>>, vector<16xf32>,
      tpu.vector_store %arg7[%swap3A], %broadcast_in_dim3A_1 {strides = array<i32>} : memref<20224xf32, #tpu.memory_space<vmem>>, vector<16xf32>,
    }
    %scan3A_6 = arith.constant 1264 : i32
    %mul3A_7 = arith.constant 10000 : i32
    %mul3A_8 = arith.muli %add3A, %mul3A_7 : i32
    "tpu.region"() ({
      %run_scoped3A = tpu.sem_alloc : memref<!tpu.dma_semaphore, #tpu.memory_space<semaphore_mem>>
      %dma_start3A = tpu.memref_slice %arg2[%mul3A_8] : memref<320000xi32, #tpu.memory_space<hbm>> -> memref<10000xi32, #tpu.memory_space<hbm>>
      %dma_start3A_21 = tpu.memref_slice %arg2[%mul3A_8] : memref<320000xi32, #tpu.memory_space<hbm>> -> memref<10000xi32, #tpu.memory_space<hbm>>
      tpu.enqueue_dma source(%dma_start3A_21 : memref<10000xi32, #tpu.memory_space<hbm>>) target(%arg5 : memref<10000xi32, #tpu.memory_space<vmem>>) target_semaphore(%run_scoped3A : memref<!tpu.dma_semaphore, #tpu.memory_space<semaphore_mem>>)
      %dma_wait3A = tpu.memref_slice %arg2[%mul3A_8] : memref<320000xi32, #tpu.memory_space<hbm>> -> memref<10000xi32, #tpu.memory_space<hbm>>
      %dma_wait3A_22 = tpu.memref_slice %arg2[%mul3A_8] : memref<320000xi32, #tpu.memory_space<hbm>> -> memref<10000xi32, #tpu.memory_space<hbm>>
      tpu.wait_dma2 semaphore(%run_scoped3A : memref<!tpu.dma_semaphore, #tpu.memory_space<semaphore_mem>>) src(%dma_wait3A_22 : memref<10000xi32, #tpu.memory_space<hbm>>) dst(%arg5 : memref<10000xi32, #tpu.memory_space<vmem>>)
      tpu.yield
    }) : () -> ()
    %mul3A_9 = arith.constant 10000 : i32
    %mul3A_10 = arith.muli %add3A, %mul3A_9 : i32
    "tpu.region"() ({
      %run_scoped3A = tpu.sem_alloc : memref<!tpu.dma_semaphore, #tpu.memory_space<semaphore_mem>>
      %dma_start3A = tpu.memref_slice %arg3[%mul3A_10] : memref<320000xi32, #tpu.memory_space<hbm>> -> memref<10000xi32, #tpu.memory_space<hbm>>
      %dma_start3A_21 = tpu.memref_slice %arg3[%mul3A_10] : memref<320000xi32, #tpu.memory_space<hbm>> -> memref<10000xi32, #tpu.memory_space<hbm>>
      tpu.enqueue_dma source(%dma_start3A_21 : memref<10000xi32, #tpu.memory_space<hbm>>) target(%arg6 : memref<10000xi32, #tpu.memory_space<vmem>>) target_semaphore(%run_scoped3A : memref<!tpu.dma_semaphore, #tpu.memory_space<semaphore_mem>>)
      %dma_wait3A = tpu.memref_slice %arg3[%mul3A_10] : memref<320000xi32, #tpu.memory_space<hbm>> -> memref<10000xi32, #tpu.memory_space<hbm>>
      %dma_wait3A_22 = tpu.memref_slice %arg3[%mul3A_10] : memref<320000xi32, #tpu.memory_space<hbm>> -> memref<10000xi32, #tpu.memory_space<hbm>>
      tpu.wait_dma2 semaphore(%run_scoped3A : memref<!tpu.dma_semaphore, #tpu.memory_space<semaphore_mem>>) src(%dma_wait3A_22 : memref<10000xi32, #tpu.memory_space<hbm>>) dst(%arg6 : memref<10000xi32, #tpu.memory_space<vmem>>)
      tpu.yield
    }) : () -> ()
    %broadcast_in_dim3A_11 = arith.constant 1.000000e+00 : f32
    %broadcast_in_dim3A_12 = vector.broadcast %broadcast_in_dim3A_11 : f32 to vector<16xf32>
    %broadcast_in_dim3A_13 = arith.constant 10112 : i32
    %broadcast_in_dim3A_14 = vector.broadcast %broadcast_in_dim3A_13 : i32 to vector<16xi32>
    %scan3A_15 = arith.constant 0 : i32
    %scan3A_16 = arith.constant 0 : i32
    %scan3A_17 = arith.constant 625 : i32
    %scan3A_18 = arith.addi %scan3A_16, %scan3A_17 : i32
    %scan3A_19 = arith.constant 1 : i32
    scf.for %scan3A_21 = %scan3A_16 to %scan3A_18 step %scan3A_19  : i32 {
      %mul3A_22 = arith.constant 16 : i32
      %mul3A_23 = arith.muli %scan3A_21, %mul3A_22 : i32
      %get3A = arith.index_cast %mul3A_23 : i32 to index
      %get3A_24 = tpu.vector_load %arg5[%get3A] {strides = array<i32>} : memref<10000xi32, #tpu.memory_space<vmem>>, vector<16xi32>,
      %mul3A_25 = arith.constant 16 : i32
      %mul3A_26 = arith.muli %scan3A_21, %mul3A_25 : i32
      %get3A_27 = arith.index_cast %mul3A_26 : i32 to index
      %get3A_28 = tpu.vector_load %arg6[%get3A_27] {strides = array<i32>} : memref<10000xi32, #tpu.memory_space<vmem>>, vector<16xi32>,
      tpu.vector_store_idx %arg7[%get3A_24], %broadcast_in_dim3A_12 {add = true} : memref<20224xf32, #tpu.memory_space<vmem>>[vector<16xi32>], vector<16xf32>,
      %add3A_29 = arith.addi %get3A_28, %broadcast_in_dim3A_14 : vector<16xi32>
      tpu.vector_store_idx %arg7[%add3A_29], %broadcast_in_dim3A_12 {add = true} : memref<20224xf32, #tpu.memory_space<vmem>>[vector<16xi32>], vector<16xf32>,
    }
    %scan3A_20 = arith.constant 625 : i32
    "tpu.region"() ({
      %run_scoped3A = tpu.sem_alloc : memref<!tpu.dma_semaphore, #tpu.memory_space<semaphore_mem>>
      %dma_start3A = arith.constant 0 : i32
      %dma_start3A_21 = tpu.memref_slice %arg4[%add3A, %dma_start3A] : memref<32x20224xf32, #tpu.memory_space<hbm>> -> memref<1x20224xf32, #tpu.memory_space<hbm>>
      %dma_start3A_22 = tpu.memref_squeeze %dma_start3A_21 : memref<1x20224xf32, #tpu.memory_space<hbm>> -> memref<20224xf32, #tpu.memory_space<hbm>>
      %dma_start3A_23 = arith.constant 0 : i32
      %dma_start3A_24 = tpu.memref_slice %arg4[%add3A, %dma_start3A_23] : memref<32x20224xf32, #tpu.memory_space<hbm>> -> memref<1x20224xf32, #tpu.memory_space<hbm>>
      %dma_start3A_25 = tpu.memref_squeeze %dma_start3A_24 : memref<1x20224xf32, #tpu.memory_space<hbm>> -> memref<20224xf32, #tpu.memory_space<hbm>>
      tpu.enqueue_dma source(%arg7 : memref<20224xf32, #tpu.memory_space<vmem>>) target(%dma_start3A_25 : memref<20224xf32, #tpu.memory_space<hbm>>) target_semaphore(%run_scoped3A : memref<!tpu.dma_semaphore, #tpu.memory_space<semaphore_mem>>)
      %dma_wait3A = arith.constant 0 : i32
      %dma_wait3A_26 = tpu.memref_slice %arg4[%add3A, %dma_wait3A] : memref<32x20224xf32, #tpu.memory_space<hbm>> -> memref<1x20224xf32, #tpu.memory_space<hbm>>
      %dma_wait3A_27 = tpu.memref_squeeze %dma_wait3A_26 : memref<1x20224xf32, #tpu.memory_space<hbm>> -> memref<20224xf32, #tpu.memory_space<hbm>>
      %dma_wait3A_28 = arith.constant 0 : i32
      %dma_wait3A_29 = tpu.memref_slice %arg4[%add3A, %dma_wait3A_28] : memref<32x20224xf32, #tpu.memory_space<hbm>> -> memref<1x20224xf32, #tpu.memory_space<hbm>>
      %dma_wait3A_30 = tpu.memref_squeeze %dma_wait3A_29 : memref<1x20224xf32, #tpu.memory_space<hbm>> -> memref<20224xf32, #tpu.memory_space<hbm>>
      tpu.wait_dma2 semaphore(%run_scoped3A : memref<!tpu.dma_semaphore, #tpu.memory_space<semaphore_mem>>) src(%arg7 : memref<20224xf32, #tpu.memory_space<vmem>>) dst(%dma_wait3A_30 : memref<20224xf32, #tpu.memory_space<hbm>>)
      tpu.yield
    }) : () -> ()
    return
  }
}

</mosaic_0001>

<sc_bundles>
// kernel: _degrees.3.cloned.1.call-start
scs
__scs_entry_jumppad:
0x0: {  	(pc) =	sbr.rel $0x88, $3  }
0x1: {  	(tag) =	ssettag $0x0;
	lr =	simm.s32 $0x1  }
0x2: {  	[smem:$0x3F9F] =	sst lr;
	_ =	strace $0xD0000000  }
0x3: {  	_ = 	snop  }
0x4: {  	_ = 	snop  }
0x5: {  	_ = 	snop  }
0x6: {  	_ = 	snop  }
0x7: {  	_ = 	snop  }
__scs_overlays_trampoline_lowered:
0x8: {  	[smem:$0x3FAE] =	sst s0  }
0x9: {  	[smem:$0x3FAF] =	sst s1  }
0xa: {  	[smem:$0x3FB0] =	sst s2  }
0xb: {  	[smem:$0x3FB1] =	sst s3  }
0xc: {  	[smem:$0x3FB2] =	sst s4  }
0xd: {  	[smem:$0x3FB3] =	sst s5  }
0xe: {  	[smem:$0x3FB4] =	sst s6  }
0xf: {  	[smem:$0x3FB5] =	sst s7  }
0x10: {  	[smem:$0x3FB6] =	sst s8  }
0x11: {  	[smem:$0x3FB7] =	sst s9;
	s0 =	simm.s32 @!p0 $0x0  }
0x12: {  	s1 =	sld [smem:$0x3F9D];
	s0 =	simm.s32 @p0 $0x1  }
0x13: {  	[smem:$0x3FB8] =	sst s0;
	s0 =	simm.s32 @!p1 $0x0  }
0x14: {  	s2 =	sld [smem:$0x3F9C];
	s0 =	simm.s32 @p1 $0x1  }
0x15: {  	[smem:$0x3FB9] =	sst s0;
	s0 =	simm.s32 @!p2 $0x0  }
0x16: {  	s3 =	sld [smem:$0x3FDB];
	s0 =	simm.s32 @p2 $0x1  }
0x17: {  	s4 =	simm.s32 $0x1BF5;
	[smem:$0x3FBB] =	sst s0  }
0x18: {  	s0 =	sld [smem:$0x3F9E];
	_ =	swait.ge [sflag:s4], $0x0  }
0x19: {  	s7 =	sld [smem:$0x3F9F]  }
0x1a: {  	s8 =	sadd.s32 $0xFFFFE003, lr  }
0x1b: {  	s9 =	sadd.s32 $0xFFFFFEF7, lr;
	s5 =	simm.s32 $0xFFFFFFFF;
	p2 =	slt.u32 s8, $0xFFFFF086  }
0x1c: {  	p1 =	slt.u32 s9, $0xF7A;
	s5 =	simm.s32 @!p2 $0x0  }
0x1d: {  	s5 =	simm.s32 @p1 $0x1;
	p0 =	seq.s32 s7, s2  }
0x1e: {  	s7 =	smul.u32 @!p0 $0xF7A, s2;
	p2 =	seq.s32 @!p0 s5, $0x0  }
0x1f: {  	s9 =	smul.u32 $0xF7A, s1;
	s8 =	simm.s32 @!p0 $0x1BF5;
	p2 =	por !p2, p0  }
0x20: {  	[sflag:s8] =	ssyncset.s32 @!p0 $0xFFFFF086;
	s6 =	sadd.s32 @!p0 s3, s7;
	s7 =	simm.s32 @!p0 $0x108  }
0x21: {  	s3 =	sadd.s32 s3, s9;
	s6 =	sadd.s32 @!p0 $0x88, s6;
	s7 =	simm.s32 @p2 $0x1082  }
0x22: {  	[simem:s7], [sflag:s8] =	dma.local @!p0 [hbm:s6], $0xF7A  }
0x23: {  	s9 =	sor.u32 $0xD0000000, s2;
	s6 =	simm.s32 $0x108;
	_ =	swait.ge @!p0 [sflag:s8], $0x0  }
0x24: {  	s3 =	sadd.s32 $0x88, s3;
	s6 =	simm.s32 @!p1 $0x1082;
	[sflag:s4] =	ssyncset.s32 $0xFFFFF086  }
0x25: {  	[simem:s6], [sflag:s4] =	dma.local [hbm:s3], $0xF7A  }
0x26: {  	[smem:$0x3F9F] =	sst s1;
	(tag) =	ssettag s2;
	_ =	strace s9  }
0x27: {  	s1 =	sld [smem:$0x3FAF]  }
0x28: {  	s2 =	sld [smem:$0x3FB0]  }
0x29: {  	s4 =	sld [smem:$0x3FB2]  }
0x2a: {  	p0 =	seq.s32 s5, $0x0;
	s5 =	sld [smem:$0x3FB3]  }
0x2b: {  	s6 =	sld [smem:$0x3FB4]  }
0x2c: {  	s7 =	sld [smem:$0x3FB5]  }
0x2d: {  	s3 =	simm.s32 $0x108;
	s8 =	sld [smem:$0x3FB6]  }
0x2e: {  	s3 =	simm.s32 @!p0 $0x1082;
	s9 =	sld [smem:$0x3FB7]  }
0x2f: {  	lr =	sadd.s32 s0, s3;
	s0 =	sld [smem:$0x3FAE]  }
0x30: {  	s3 =	sld [smem:$0x3FB1]  }
0x31: {  	[smem:$0x3FBA] =	sst s10  }
0x32: {  	s10 =	sld [smem:$0x3FB8];
	_ =	sdelay $0x3  }
0x33: {  	p0 =	seq.s32 s10, $0x1;
	s10 =	sld [smem:$0x3FBA];
	_ =	sdelay $0x3  }
0x34: {  	[smem:$0x3FBA] =	sst s10  }
0x35: {  	s10 =	sld [smem:$0x3FB9];
	_ =	sdelay $0x3  }
0x36: {  	p1 =	seq.s32 s10, $0x1;
	s10 =	sld [smem:$0x3FBA];
	_ =	sdelay $0x3  }
0x37: {  	[smem:$0x3FBA] =	sst s10  }
0x38: {  	s10 =	sld [smem:$0x3FBB]  }
0x39: {  	_ = 	snop;
	(pc) =	sbr.ind lr, $3  }
0x3a: {  	_ = 	snop  }
0x3b: {  	_ = 	snop  }
0x3c: {  	p2 =	seq.s32 s10, $0x1;
	s10 =	sld [smem:$0x3FBA]  }
0x3d: {  	_ =	shalt  }
0x3e: {  	_ =	shalt  }
0x3f: {  	_ =	shalt  }
0x40: {  	_ =	shalt  }
0x41: {  	_ =	shalt  }
0x42: {  	_ =	shalt  }
0x43: {  	_ =	shalt  }
0x44: {  	_ =	shalt  }
0x45: {  	_ =	shalt  }
0x46: {  	_ =	shalt  }
0x47: {  	_ =	shalt  }
0x48: {  	_ =	shalt  }
0x49: {  	_ =	shalt  }
0x4a: {  	_ =	shalt  }
0x4b: {  	_ =	shalt  }
0x4c: {  	_ =	shalt  }
0x4d: {  	_ =	shalt  }
0x4e: {  	_ =	shalt  }
0x4f: {  	_ =	shalt  }
0x50: {  	_ =	shalt  }
0x51: {  	_ =	shalt  }
0x52: {  	_ =	shalt  }
0x53: {  	_ =	shalt  }
0x54: {  	_ =	shalt  }
0x55: {  	_ =	shalt  }
0x56: {  	_ =	shalt  }
0x57: {  	_ =	shalt  }
0x58: {  	_ =	shalt  }
0x59: {  	_ =	shalt  }
0x5a: {  	_ =	shalt  }
0x5b: {  	_ =	shalt  }
0x5c: {  	_ =	shalt  }
0x5d: {  	_ =	shalt  }
0x5e: {  	_ =	shalt  }
0x5f: {  	_ =	shalt  }
0x60: {  	_ =	shalt  }
0x61: {  	_ =	shalt  }
0x62: {  	_ =	shalt  }
0x63: {  	_ =	shalt  }
0x64: {  	_ =	shalt  }
0x65: {  	_ =	shalt  }
0x66: {  	_ =	shalt  }
0x67: {  	_ =	shalt  }
0x68: {  	_ =	shalt  }
0x69: {  	_ =	shalt  }
0x6a: {  	_ =	shalt  }
0x6b: {  	_ =	shalt  }
0x6c: {  	_ =	shalt  }
0x6d: {  	_ =	shalt  }
0x6e: {  	_ =	shalt  }
0x6f: {  	_ =	shalt  }
0x70: {  	_ =	shalt  }
0x71: {  	_ =	shalt  }
0x72: {  	_ =	shalt  }
0x73: {  	_ =	shalt  }
0x74: {  	_ =	shalt  }
0x75: {  	_ =	shalt  }
0x76: {  	_ =	shalt  }
0x77: {  	_ =	shalt  }
0x78: {  	_ =	shalt  }
0x79: {  	_ =	shalt  }
0x7a: {  	_ =	shalt  }
0x7b: {  	_ =	shalt  }
0x7c: {  	_ =	shalt  }
0x7d: {  	_ =	shalt  }
0x7e: {  	_ =	shalt  }
0x7f: {  	_ =	shalt  }
0x80: {  	_ =	shalt  }
0x81: {  	_ =	shalt  }
0x82: {  	_ =	shalt  }
0x83: {  	_ =	shalt  }
0x84: {  	_ =	shalt  }
0x85: {  	_ =	shalt  }
0x86: {  	_ =	shalt  }
0x87: {  	_ =	shalt  }
.Lfunc_end0:
.L_simem_size_0:
called_computation_lowered:
.L_overlay_start_0:
0x88: {  	s2 =	sld [smem:$0x3FD9]  }
0x89: {  	s3 =	sld [smem:$0x3FFE];
	_ =	sdelay $0x1  }
0x8a: {  	s1 =	srdreg.scid  }
0x8b: {  	s0 =	sand.u32 $0x1, s1  }
0x8c: {  	s18 =	sshll.u32 s0, $0xA;
	s2 =	sadd.s32 s3, s2  }
0x8d: {  	s2 =	sadd.s32 s2, s18  }
0x8e: {  	[smem:$0x3FC6] =	sst s2  }
0x8f: {  	_ = 	snop  }
0x90: {  	s2 =	sld [smem:$0x3FC9]  }
0x91: {  	s19 =	sld [smem:$0x3FC8]  }
0x92: {  	s4 =	sld [smem:$0x3FD0];
	(tm) =	ssettm $0x1  }
0x93: {  	s5 =	sld [smem:$0x3FFB];
	_ =	sdelay $0x3  }
0x94: {  	_ =	strace s5  }
0x95: {  	s5 =	sld [smem:$0x3FFC];
	_ =	sdelay $0x3  }
0x96: {  	_ =	strace s5  }
0x97: {  	s5 =	sld [smem:$0x3FFD];
	_ =	sdelay $0x3  }
0x98: {  	_ =	strace s5  }
0x99: {  	_ =	strace $0x8FFFFFFF  }
0x9a: {  	s20 =	sld [smem:$0x3FDB];
	_ =	sdelay $0x1  }
0x9b: {  	s6 =	simm.s32 $_scs_section_size  }
0x9c: {  	s7 =	simm.s32 $_size__tile_overlayer_lowered;
	s8 =	simm.s32 $_tile_overlayer_lowered  }
0x9d: {  	s23 =	simm.s32 $0x1BFF;
	s22 =	sshll.u32 s8, $0x1;
	s5 =	sadd.s32 s6, s20  }
0x9e: {  	s9 =	simm.s32 $0x0;
	s21 =	sshll.u32 s7, $0x1;
	s7 =	sadd.s32 s22, s5  }
0x9f: {  	[timem:s9], [sflag:s23] =	dma.local [hbm:s7], s21  }
0xa0: {  	_ =	swait.ge [sflag:s23], s21  }
0xa1: {  	s6 =	ssub.s32 $0x0, s21;
	[sflag:s23] =	ssyncset.done $0x0  }
0xa2: {  	[sflag:s23] =	ssyncadd.s32 s6;
	_ =	sdelay $0x1  }
0xa3: {  	s24 =	simm.s32 $0x1B8B  }
0xa4: {  	_ =	swait.ge [sflag:s24], $0x1  }
0xa5: {  	[sflag:s24] =	ssyncset.done $0x0  }
0xa6: {  	s25 =	simm.s32 $0x1B8E;
	[sflag:s24] =	ssyncadd.s32 $0xFFFFFFFF  }
0xa7: {  	s26 =	simm.s32 $execute0_lowered;
	[smem:$0x3FD2] =	sst s25  }
0xa8: {  	s6 =	sshll.u32 s26, $0x1;
	_ =	strace $0x80000046;
	[dreg:$0x1] =	wrdreg $0xFFFFFFFF  }
0xa9: {  	s28 =	simm.s32 $_size_execute0_lowered;
	s5 =	sadd.s32 s5, s6;
	[dreg:$0x0] =	wrdreg $0x0  }
0xaa: {  	s6 =	sshll.u32 s28, $0x1;
	[dreg:$0x2] =	wrdreg s5  }
0xab: {  	[dreg:$0x3] =	wrdreg s6  }
0xac: {  	[dreg:$0x4] =	wrdreg $0xC0  }
0xad: {  	_ =	task [dreg:s9], $0x5FFFF  }
0xae: {  	[dreg:$0x1] =	wrdreg $0xFFFFFFFF  }
0xaf: {  	[dreg:$0x0] =	wrdreg $0x60  }
0xb0: {  	[dreg:$0x2] =	wrdreg s2  }
0xb1: {  	[dreg:$0x3] =	wrdreg s19  }
0xb2: {  	[dreg:$0x4] =	wrdreg s4  }
0xb3: {  	[dreg:$0x5] =	wrdreg $0x9  }
0xb4: {  	_ =	task.clear_ibuf [dreg:s9], $0x6FFFF;
	_ =	strace $0x90000046  }
0xb5: {  	s29 =	simm.s32 $0x9;
	_ =	strace $0x80000048  }
0xb6: {  	_ =	swait.ge [sflag:s29], $0x1  }
0xb7: {  	[sflag:s29] =	ssyncadd.s32 $0xFFFFFFFF  }
0xb8: {  	_ =	strace $0x90000048  }
0xb9: {  	_ =	sfence  }
0xba: {  	s30 =	sld [smem:$0x0];
	_ =	sdelay $0x2  }
0xbb: {  	s31 =	sshll.u32 s1, $0xD;
	s1 =	sshrl.u32 s1, $0x2  }
0xbc: {  	s3 =	sand.u32 $0x4000, s31;
	s1 =	sadd.s32 s1, s30  }
0xbd: {  	s0 =	sor.u32 s3, s0;
	s1 =	sshll.u32 s1, $0x11  }
0xbe: {  	s0 =	sor.u32 s1, s0  }
0xbf: {  	s0 =	sadd.s32 $0x8F2B, s0  }
0xc0: {  	[sflag:s0] =	ssyncadd.remote.s32 $0x1  }
0xc1: {  	_ =	sfence.sel $0xFFFF  }
0xc2: {  	[dreg:$0x0] =	wrdreg $0xFFFFFFFF;
	(pc) =	sbr.abs _section_cstart, $3  }
0xc3: {  	[dreg:$0x1] =	wrdreg $0xFFFFFFFF  }
0xc4: {  	_ =	task.clear_ibuf [dreg:s9], $0x2FFFF;
	_ =	strace $0x9FFFFFFF  }
0xc5: {  	(tm) =	ssettm $0x7FFFFFFF  }
tec
execute0_lowered:
.L_overlay_start_1:
0x0: {  	(tag) =	ssettag $0x1  }
0x1: {  	s3 =	rddreg [dreg:$0x0]  }
0x2: {  	s5 =	rddreg [dreg:$0x1]  }
0x3: {  	s0 =	srdreg.scid;
	s6 =	rddreg [dreg:$0x2]  }
0x4: {  	s2 =	simm.s32 $0x0;
	s11 =	simm.s32 $0x400;
	s4 =	sand.u32 $0x1, s0  }
0x5: {  	s0 =	stileid.u32;
	[smem:$0x7FF] =	sst s2;
	s1 =	sshll.u32 s4, $0x4  }
0x6: {  	s9 =	sshll.u32 s0, $0x7;
	s4 =	ssub.s32 $0x2, s4;
	s7 =	sor.u32 s0, s1  }
0x7: {  	s1 =	rddreg [dreg:$0x3];
	s8 =	sshrl.u32 s7, $0x3;
	s7 =	smul.u32 $0x4E2, s7  }
0x8: {  	s9 =	sand.u32 $0x380, s9;
	s10 =	sshrl.u32 s4, $0x1;
	s8 =	smul.u32 $0x27800, s8  }
0x9: {  	_ =	strace $0x80000047;
	s31 =	ssub.s32 s4, s10;
	s10 =	simm.s32 $0x80  }
0xa: {  	s3 =	sadd.s32 s3, s7;
	s4 =	sadd.s32 s5, s7;
	s8 =	sor.u32 s9, s8  }
0xb: {  	s7 =	simm.s32 $0x1;
	s9 =	simm.s32 $0x4F00;
	s8 =	sshrl.u32 s8, $0x3  }
0xc: {  	v0 =	vimm.f32 $0.0e+00;
	v1 =	vimm.f32 $1.000000000e+00;
	s5 =	sadd.s32 s6, s8;
	s6 =	smax.u32 s31, $0x1;
	s8 =	simm.s32 $0x2780  }
.LBB2_1:
0xd: {  	s12 =	simm.s32 $0x40;
	s13 =	simm.s32 $0x0  }
.LBB2_2:
0xe: {  	p0 =	sne.s32 s12, $0x13BC0;
	[tilespmem:s13+$0x4F00] =	vst v0;
	s13 =	smov.u32 s12;
	s12 =	sadd.s32 $0x40, s12  }
.Ltmp0:
0xf: {  	(pc) =	sbr.rel @p0 .LBB2_2-.Ltmp0, $2  }
0x10: {  	_ =	sdelay $0x2  }
0x11: {  	s13 =	sshra.s32 s13, $0x2  }
0x12: {  	[tilespmem:s13+$0x4F00] =	vst v0;
	s12 =	simm.s32 $0x0  }
0x13: {  	[tilespmem:s12], [sflag:$0x1] =	stream.linear.gather [hbm4b:s3+s12], $0x2710, $0x38;
	[tilespmem:$0x9E00] =	vst v63  }
0x14: {  	_ =	swait.ge [sflag:s7], $0x2710  }
0x15: {  	[sflag:s7] =	ssyncset.done $0x0  }
0x16: {  	[sflag:s7] =	ssyncadd.s32 $0xFFFFD8F0  }
0x17: {  	[tilespmem:s8], [sflag:$0x1] =	stream.linear.gather [hbm4b:s4+s12], $0x2710, $0x38;
	[tilespmem:$0x9E00] =	vst v63  }
0x18: {  	_ =	swait.ge [sflag:s7], $0x2710  }
0x19: {  	[sflag:s7] =	ssyncset.done $0x0  }
0x1a: {  	s13 =	simm.s32 $0x0;
	s12 =	simm.s32 $0x40;
	[sflag:s7] =	ssyncadd.s32 $0xFFFFD8F0  }
.LBB2_4:
0x1b: {  	p0 =	sne.s32 s12, $0x9C00;
	v2 =	vld [tilespmem:s13+$0x2780]  }
0x1c: {  	v3 =	vld [tilespmem:s13+$0x0];
	_ =	sdelay $0x3  }
0x1d: {  	v2 =	vadd.s32 $0x2780, v2  }
.Ltmp1:
0x1e: {  	(pc) =	sbr.rel @p0 .LBB2_4-.Ltmp1, $3  }
0x1f: {  	_ =	sdelay $0x1  }
0x20: {  	[tilespmem:v3+s9+$0x0] =	vst.idx.add.f32.msk $0xffff, v1  }
0x21: {  	s13 =	sshra.s32 s12, $0x2;
	s12 =	sadd.s32 $0x40, s12;
	[tilespmem:v2+s9+$0x0] =	vst.idx.add.f32.msk $0xffff, v1  }
0x22: {  	v2 =	vld [tilespmem:s13+$0x2780]  }
0x23: {  	v3 =	vld [tilespmem:s13+$0x0];
	_ =	sdelay $0x3  }
0x24: {  	v2 =	vadd.s32 $0x2780, v2;
	_ =	sdelay $0x2  }
0x25: {  	s2 =	sadd.s32 $0x1, s2  }
0x26: {  	p0 =	sne.s32 s2, s6;
	[tilespmem:v3+s9+$0x0] =	vst.idx.add.f32.msk $0xffff, v1  }
.Ltmp2:
0x27: {  	[tilespmem:v2+s9+$0x0] =	vst.idx.add.f32.msk $0xffff, v1;
	(pc) =	sbr.rel @p0 .LBB2_1-.Ltmp2, $4  }
0x28: {  	[hbm4b:s5+s10] =	stream.strided.scatter [tilespmem:s9], [sflag:$0x1], $0x4F00, s11, s10, $0x38;
	[tilespmem:$0x9E00] =	vst v63  }
0x29: {  	_ =	swait.ge [sflag:s7], $0x4F00  }
0x2a: {  	[sflag:s7] =	ssyncset.done $0x0  }
0x2b: {  	[sflag:s7] =	ssyncadd.s32 $0xFFFFB100  }
0x2c: {  	_ =	sfence.sel $0x180000  }
0x2d: {  	[bflag:$0x0] =	sbarrier.arrive $0xFFFF  }
0x2e: {  	p0 =	sne.s32 s0, $0x0;
	_ =	strace $0x90000047  }
0x2f: {  	s0 =	sadd.s32 @!p0 $0x100000, s1;
	[bflag:$0x2] =	sbarrier.arrive $0xFFFF  }
0x30: {  	[sflag:s0] =	ssyncadd.tile.s32 @!p0 $0x1;
	_ =	shalt  }
.Lfunc_end2:
_tile_overlayer_lowered:
.L_overlay_start_2:
0x31: {  	(tag) =	ssettag $0x2  }
0x32: {  	s0 =	rddreg [dreg:$0x0];
	s2 =	stileid.u32  }
0x33: {  	s1 =	rddreg [dreg:$0x1];
	p0 =	sne.s32 s2, $0x0  }
0x34: {  	s3 =	rddreg [dreg:$0x2];
	[bflag:$0x3] =	sbarrier.arrive $0xFFFF;
	s2 =	simm.s32 @!p0 $0x1C01  }
0x35: {  	[timem:s3], [sflag:s2] =	dma.local @!p0 [hbm:s0], s1  }
0x36: {  	s0 =	simm.s32 @!p0 $0x1  }
0x37: {  	_ =	swait.ge @!p0 [sflag:s0], s1  }
0x38: {  	s1 =	ssub.s32 @!p0 $0x0, s1;
	[sflag:s0] =	ssyncset.done @!p0 $0x0  }
0x39: {  	[sflag:s0] =	ssyncadd.s32 @!p0 s1  }
0x3a: {  	[bflag:$0x3] =	sbarrier.arrive $0xFFFF  }
0x3b: {  	_ =	shalt  }

</sc_bundles>
